<compile_context>
chip_gen: v7x
topology: tpu7x:2x2x1
jax: 0.10.2.dev20260603
libtpu: 0.0.44.dev20260713+nightly
codegen_flags: <defaults>
</compile_context>

<pallas_src>
import functools

import jax
import jax.numpy as jnp
from jax import lax
from jax.experimental import pallas as pl
from jax.experimental.pallas import tpu as pltpu
from jax.experimental.pallas import tpu_sc as plsc


def _sc_gather(table2d, idx, num_cores, num_subcores):
    n_rows, d = table2d.shape
    bf = idx.shape[0]
    nw = num_cores * num_subcores
    rows_per_w = bf // nw
    nch = 8
    ch = rows_per_w // nch

    mesh = plsc.VectorSubcoreMesh(core_axis_name="c", subcore_axis_name="s")

    @functools.partial(
        pl.kernel,
        out_type=jax.ShapeDtypeStruct((bf, d), jnp.float32),
        mesh=mesh,
        compiler_params=pltpu.CompilerParams(use_tc_tiling_on_sc=False),
        scratch_types=[
            pltpu.VMEM((rows_per_w,), jnp.int32),
            pltpu.VMEM((ch, d), jnp.float32),
            pltpu.VMEM((ch, d), jnp.float32),
            pltpu.SemaphoreType.DMA,
            pltpu.SemaphoreType.DMA,
        ],
    )
    def k(table_hbm, idx_hbm, out_hbm, idx_v, rows0, rows1, sem0, sem1):
        wid = lax.axis_index("s") * num_cores + lax.axis_index("c")
        base = wid * rows_per_w
        pltpu.sync_copy(idx_hbm.at[pl.ds(base, rows_per_w)], idx_v)
        bufs = (rows0, rows1)
        sems = (sem0, sem1)
        copies = [None] * nch
        copies[0] = pltpu.async_copy(
            table_hbm.at[idx_v.at[pl.ds(0, ch)]], bufs[0], sems[0])
        for c in range(nch):
            if c + 1 < nch:
                copies[c + 1] = pltpu.async_copy(
                    table_hbm.at[idx_v.at[pl.ds((c + 1) * ch, ch)]],
                    bufs[(c + 1) % 2], sems[(c + 1) % 2])
            copies[c].wait()
            pltpu.sync_copy(bufs[c % 2], out_hbm.at[pl.ds(base + c * ch, ch)])

    return k(table2d, idx)


def _mlp(x, w1, b1, w2row, b2, blk):
    bsz, fd = x.shape
    h = w1.shape[0]

    def body(x_ref, w1_ref, b1_ref, w2_ref, b2_ref, o_ref):
        xb = x_ref[...]
        hid = lax.dot_general(
            xb, w1_ref[...], (((1,), (1,)), ((), ())),
            preferred_element_type=jnp.float32)
        hid = jnp.maximum(hid + b1_ref[...], 0.0)
        o_ref[...] = jnp.sum(hid * w2_ref[...], axis=1) + b2_ref[0]

    return pl.pallas_call(
        body,
        grid=(bsz // blk,),
        in_specs=[
            pl.BlockSpec((blk, fd), lambda i: (i, 0)),
            pl.BlockSpec((h, fd), lambda i: (0, 0)),
            pl.BlockSpec((1, h), lambda i: (0, 0)),
            pl.BlockSpec((1, h), lambda i: (0, 0)),
            pl.BlockSpec((1,), lambda i: (0,)),
        ],
        out_specs=pl.BlockSpec((blk,), lambda i: (i,)),
        out_shape=jax.ShapeDtypeStruct((bsz,), jnp.float32),
    )(x, w1, b1.reshape(1, h), w2row.reshape(1, h), b2)


def kernel(features, tables, W1, b1, W2, b2):
    bsz, f = features.shape
    _, v, d = tables.shape
    h = W1.shape[0]
    o = W2.shape[0]

    table2d = tables.reshape(f * v, d)
    idx = (features.astype(jnp.int32)
           + (jnp.arange(f, dtype=jnp.int32) * v)[None, :]).reshape(-1)

    try:
        info = plsc.get_sparse_core_info()
        num_cores, num_subcores = info.num_cores, info.num_subcores
    except Exception:
        num_cores, num_subcores = 2, 16
    x = _sc_gather(table2d, idx, num_cores, num_subcores)
    x = x.reshape(bsz, f * d)

    out = _mlp(x, W1, b1, W2[0], b2, blk=1024)
    return out.reshape(bsz, o)

# --- scband reference (transcript-rebuilt; emitter-appended) ---
"""Pipeline reference for scband-network-6425271075358 (READ-ONLY COPY).

The authoritative reference and input builder live on the scoring server;
editing this copy changes nothing except your own understanding.
"""

import jax, jax.numpy as jnp
import numpy as np


def setup_inputs(seed: int = 0) -> dict:
    key = jax.random.key(seed)
    ks = jax.random.split(key, 6)
    B, F, V, D, H, O = 16384, 26, 100000, 32, 256, 1
    features = jax.random.randint(ks[0], (B, F), 0, V)
    # 26 embedding tables of identical shape, stacked: [F, V, D], std=1e-2 per torch init
    tables = jax.random.normal(ks[1], (F, V, D), dtype=jnp.float32) * 0.01
    W1 = jax.random.normal(ks[2], (H, F * D), dtype=jnp.float32) * 0.02
    b1 = jnp.zeros((H,), dtype=jnp.float32)
    W2 = jax.random.normal(ks[3], (O, H), dtype=jnp.float32) * 0.02
    b2 = jnp.zeros((O,), dtype=jnp.float32)
    return {"features": features, "tables": tables, "W1": W1, "b1": b1, "W2": W2, "b2": b2}


def reference(features, tables, W1, b1, W2, b2):
    # For each sparse field i, gather tables[i][features[:, i]] then concat along feature dim
    F = tables.shape[0]
    field_idx = jnp.arange(F)[None, :]            # [1, F]
    emb = tables[field_idx, features]             # [B, F, D] gather per field
    x = emb.reshape(emb.shape[0], -1)             # concat of per-field embeddings: [B, F*D]
    h = jnp.maximum(x @ W1.T + b1, 0.0)           # linear + ReLU
    out = h @ W2.T + b2                           # output linear
    return out.reshape(-1, W2.shape[0])           # view(-1, output_dim)

if __name__ == "__main__":
    import jax
    _d = setup_inputs()
    print(jax.jit(kernel)(*tuple(_d.values())))

</pallas_src>

<mosaic_0001>
#map = affine_map<(d0, d1) -> (0, 0)>
#map1 = affine_map<(d0, d1) -> (0)>
module attributes {stable_mosaic.version = 14 : i64} {
  func.func @k(%arg0: i32, %arg1: i32, %arg2: memref<2600000x32xf32, #tpu.memory_space<hbm>>, %arg3: memref<425984xi32, #tpu.memory_space<hbm>>, %arg4: memref<425984x32xf32, #tpu.memory_space<hbm>>, %arg5: memref<13312xi32, #tpu.memory_space<vmem>>, %arg6: memref<1664x32xf32, #tpu.memory_space<vmem>>, %arg7: memref<1664x32xf32, #tpu.memory_space<vmem>>, %arg8: memref<!tpu.dma_semaphore, #tpu.memory_space<semaphore_mem>>, %arg9: memref<!tpu.dma_semaphore, #tpu.memory_space<semaphore_mem>>) attributes {dimension_semantics = [#tpu.dimension_semantics<core_parallel>, #tpu.dimension_semantics<subcore_parallel>], iteration_bounds = array<i64: 2, 16>, scalar_prefetch = 0 : i64, scratch_operands = 5 : i64, tpu.core_type = #tpu.core_type<sc_vector_subcore>, window_params = [{transform_indices = #map}, {transform_indices = #map1}, {transform_indices = #map}]} {
    %mul3A = arith.constant 2 : i32
    %mul3A_0 = arith.muli %arg1, %mul3A : i32
    %add3A = arith.addi %mul3A_0, %arg0 : i32
    %mul3A_1 = arith.constant 13312 : i32
    %mul3A_2 = arith.muli %add3A, %mul3A_1 : i32
    "tpu.region"() ({
      %run_scoped3A = tpu.sem_alloc : memref<!tpu.dma_semaphore, #tpu.memory_space<semaphore_mem>>
      %dma_start3A_97 = tpu.memref_slice %arg3[%mul3A_2] : memref<425984xi32, #tpu.memory_space<hbm>> -> memref<13312xi32, #tpu.memory_space<hbm>>
      %dma_start3A_98 = tpu.memref_slice %arg3[%mul3A_2] : memref<425984xi32, #tpu.memory_space<hbm>> -> memref<13312xi32, #tpu.memory_space<hbm>>
      tpu.enqueue_dma source(%dma_start3A_98 : memref<13312xi32, #tpu.memory_space<hbm>>) target(%arg5 : memref<13312xi32, #tpu.memory_space<vmem>>) target_semaphore(%run_scoped3A : memref<!tpu.dma_semaphore, #tpu.memory_space<semaphore_mem>>)
      %dma_wait3A_99 = tpu.memref_slice %arg3[%mul3A_2] : memref<425984xi32, #tpu.memory_space<hbm>> -> memref<13312xi32, #tpu.memory_space<hbm>>
      %dma_wait3A_100 = tpu.memref_slice %arg3[%mul3A_2] : memref<425984xi32, #tpu.memory_space<hbm>> -> memref<13312xi32, #tpu.memory_space<hbm>>
      tpu.wait_dma2 semaphore(%run_scoped3A : memref<!tpu.dma_semaphore, #tpu.memory_space<semaphore_mem>>) src(%dma_wait3A_100 : memref<13312xi32, #tpu.memory_space<hbm>>) dst(%arg5 : memref<13312xi32, #tpu.memory_space<vmem>>)
      tpu.yield
    }) : () -> ()
    %dma_start3A = arith.constant 0 : i32
    %dma_start3A_3 = tpu.memref_slice %arg5[%dma_start3A] : memref<13312xi32, #tpu.memory_space<vmem>> -> memref<1664xi32, #tpu.memory_space<vmem>>
    %dma_start3A_4 = arith.constant 0 : i32
    %dma_start3A_5 = arith.constant 0 : i32
    %dma_start3A_6 = tpu.memref_slice %arg2[%dma_start3A_4, %dma_start3A_5] : memref<2600000x32xf32, #tpu.memory_space<hbm>> -> memref<2600000x32xf32, #tpu.memory_space<hbm>>
    tpu.enqueue_indirect_dma source(%dma_start3A_6 : memref<2600000x32xf32, #tpu.memory_space<hbm>>) target(%arg6 : memref<1664x32xf32, #tpu.memory_space<vmem>>) offsets(%dma_start3A_3 : memref<1664xi32, #tpu.memory_space<vmem>>) semaphore(%arg8 : memref<!tpu.dma_semaphore, #tpu.memory_space<semaphore_mem>>)
    %dma_start3A_7 = arith.constant 1664 : i32
    %dma_start3A_8 = tpu.memref_slice %arg5[%dma_start3A_7] : memref<13312xi32, #tpu.memory_space<vmem>> -> memref<1664xi32, #tpu.memory_space<vmem>>
    %dma_start3A_9 = arith.constant 0 : i32
    %dma_start3A_10 = arith.constant 0 : i32
    %dma_start3A_11 = tpu.memref_slice %arg2[%dma_start3A_9, %dma_start3A_10] : memref<2600000x32xf32, #tpu.memory_space<hbm>> -> memref<2600000x32xf32, #tpu.memory_space<hbm>>
    tpu.enqueue_indirect_dma source(%dma_start3A_11 : memref<2600000x32xf32, #tpu.memory_space<hbm>>) target(%arg7 : memref<1664x32xf32, #tpu.memory_space<vmem>>) offsets(%dma_start3A_8 : memref<1664xi32, #tpu.memory_space<vmem>>) semaphore(%arg9 : memref<!tpu.dma_semaphore, #tpu.memory_space<semaphore_mem>>)
    %dma_wait3A = arith.constant 0 : i32
    %dma_wait3A_12 = tpu.memref_slice %arg5[%dma_wait3A] : memref<13312xi32, #tpu.memory_space<vmem>> -> memref<1664xi32, #tpu.memory_space<vmem>>
    %dma_wait3A_13 = arith.constant 0 : i32
    %dma_wait3A_14 = arith.constant 0 : i32
    %dma_wait3A_15 = tpu.memref_slice %arg2[%dma_wait3A_13, %dma_wait3A_14] : memref<2600000x32xf32, #tpu.memory_space<hbm>> -> memref<2600000x32xf32, #tpu.memory_space<hbm>>
    tpu.wait_indirect_dma semaphore(%arg8 : memref<!tpu.dma_semaphore, #tpu.memory_space<semaphore_mem>>) src(%dma_wait3A_15 : memref<2600000x32xf32, #tpu.memory_space<hbm>>) dst(%arg6 : memref<1664x32xf32, #tpu.memory_space<vmem>>)
    %add3A_16 = arith.constant 0 : i32
    %add3A_17 = arith.addi %mul3A_2, %add3A_16 : i32
    "tpu.region"() ({
      %run_scoped3A = tpu.sem_alloc : memref<!tpu.dma_semaphore, #tpu.memory_space<semaphore_mem>>
      %dma_start3A_97 = arith.constant 0 : i32
      %dma_start3A_98 = tpu.memref_slice %arg4[%add3A_17, %dma_start3A_97] : memref<425984x32xf32, #tpu.memory_space<hbm>> -> memref<1664x32xf32, #tpu.memory_space<hbm>>
      %dma_start3A_99 = arith.constant 0 : i32
      %dma_start3A_100 = tpu.memref_slice %arg4[%add3A_17, %dma_start3A_99] : memref<425984x32xf32, #tpu.memory_space<hbm>> -> memref<1664x32xf32, #tpu.memory_space<hbm>>
      tpu.enqueue_dma source(%arg6 : memref<1664x32xf32, #tpu.memory_space<vmem>>) target(%dma_start3A_100 : memref<1664x32xf32, #tpu.memory_space<hbm>>) target_semaphore(%run_scoped3A : memref<!tpu.dma_semaphore, #tpu.memory_space<semaphore_mem>>)
      %dma_wait3A_101 = arith.constant 0 : i32
      %dma_wait3A_102 = tpu.memref_slice %arg4[%add3A_17, %dma_wait3A_101] : memref<425984x32xf32, #tpu.memory_space<hbm>> -> memref<1664x32xf32, #tpu.memory_space<hbm>>
      %dma_wait3A_103 = arith.constant 0 : i32
      %dma_wait3A_104 = tpu.memref_slice %arg4[%add3A_17, %dma_wait3A_103] : memref<425984x32xf32, #tpu.memory_space<hbm>> -> memref<1664x32xf32, #tpu.memory_space<hbm>>
      tpu.wait_dma2 semaphore(%run_scoped3A : memref<!tpu.dma_semaphore, #tpu.memory_space<semaphore_mem>>) src(%arg6 : memref<1664x32xf32, #tpu.memory_space<vmem>>) dst(%dma_wait3A_104 : memref<1664x32xf32, #tpu.memory_space<hbm>>)
      tpu.yield
    }) : () -> ()
    %dma_start3A_18 = arith.constant 3328 : i32
    %dma_start3A_19 = tpu.memref_slice %arg5[%dma_start3A_18] : memref<13312xi32, #tpu.memory_space<vmem>> -> memref<1664xi32, #tpu.memory_space<vmem>>
    %dma_start3A_20 = arith.constant 0 : i32
    %dma_start3A_21 = arith.constant 0 : i32
    %dma_start3A_22 = tpu.memref_slice %arg2[%dma_start3A_20, %dma_start3A_21] : memref<2600000x32xf32, #tpu.memory_space<hbm>> -> memref<2600000x32xf32, #tpu.memory_space<hbm>>
    tpu.enqueue_indirect_dma source(%dma_start3A_22 : memref<2600000x32xf32, #tpu.memory_space<hbm>>) target(%arg6 : memref<1664x32xf32, #tpu.memory_space<vmem>>) offsets(%dma_start3A_19 : memref<1664xi32, #tpu.memory_space<vmem>>) semaphore(%arg8 : memref<!tpu.dma_semaphore, #tpu.memory_space<semaphore_mem>>)
    %dma_wait3A_23 = arith.constant 1664 : i32
    %dma_wait3A_24 = tpu.memref_slice %arg5[%dma_wait3A_23] : memref<13312xi32, #tpu.memory_space<vmem>> -> memref<1664xi32, #tpu.memory_space<vmem>>
    %dma_wait3A_25 = arith.constant 0 : i32
    %dma_wait3A_26 = arith.constant 0 : i32
    %dma_wait3A_27 = tpu.memref_slice %arg2[%dma_wait3A_25, %dma_wait3A_26] : memref<2600000x32xf32, #tpu.memory_space<hbm>> -> memref<2600000x32xf32, #tpu.memory_space<hbm>>
    tpu.wait_indirect_dma semaphore(%arg9 : memref<!tpu.dma_semaphore, #tpu.memory_space<semaphore_mem>>) src(%dma_wait3A_27 : memref<2600000x32xf32, #tpu.memory_space<hbm>>) dst(%arg7 : memref<1664x32xf32, #tpu.memory_space<vmem>>)
    %add3A_28 = arith.constant 1664 : i32
    %add3A_29 = arith.addi %mul3A_2, %add3A_28 : i32
    "tpu.region"() ({
      %run_scoped3A = tpu.sem_alloc : memref<!tpu.dma_semaphore, #tpu.memory_space<semaphore_mem>>
      %dma_start3A_97 = arith.constant 0 : i32
      %dma_start3A_98 = tpu.memref_slice %arg4[%add3A_29, %dma_start3A_97] : memref<425984x32xf32, #tpu.memory_space<hbm>> -> memref<1664x32xf32, #tpu.memory_space<hbm>>
      %dma_start3A_99 = arith.constant 0 : i32
      %dma_start3A_100 = tpu.memref_slice %arg4[%add3A_29, %dma_start3A_99] : memref<425984x32xf32, #tpu.memory_space<hbm>> -> memref<1664x32xf32, #tpu.memory_space<hbm>>
      tpu.enqueue_dma source(%arg7 : memref<1664x32xf32, #tpu.memory_space<vmem>>) target(%dma_start3A_100 : memref<1664x32xf32, #tpu.memory_space<hbm>>) target_semaphore(%run_scoped3A : memref<!tpu.dma_semaphore, #tpu.memory_space<semaphore_mem>>)
      %dma_wait3A_101 = arith.constant 0 : i32
      %dma_wait3A_102 = tpu.memref_slice %arg4[%add3A_29, %dma_wait3A_101] : memref<425984x32xf32, #tpu.memory_space<hbm>> -> memref<1664x32xf32, #tpu.memory_space<hbm>>
      %dma_wait3A_103 = arith.constant 0 : i32
      %dma_wait3A_104 = tpu.memref_slice %arg4[%add3A_29, %dma_wait3A_103] : memref<425984x32xf32, #tpu.memory_space<hbm>> -> memref<1664x32xf32, #tpu.memory_space<hbm>>
      tpu.wait_dma2 semaphore(%run_scoped3A : memref<!tpu.dma_semaphore, #tpu.memory_space<semaphore_mem>>) src(%arg7 : memref<1664x32xf32, #tpu.memory_space<vmem>>) dst(%dma_wait3A_104 : memref<1664x32xf32, #tpu.memory_space<hbm>>)
      tpu.yield
    }) : () -> ()
    %dma_start3A_30 = arith.constant 4992 : i32
    %dma_start3A_31 = tpu.memref_slice %arg5[%dma_start3A_30] : memref<13312xi32, #tpu.memory_space<vmem>> -> memref<1664xi32, #tpu.memory_space<vmem>>
    %dma_start3A_32 = arith.constant 0 : i32
    %dma_start3A_33 = arith.constant 0 : i32
    %dma_start3A_34 = tpu.memref_slice %arg2[%dma_start3A_32, %dma_start3A_33] : memref<2600000x32xf32, #tpu.memory_space<hbm>> -> memref<2600000x32xf32, #tpu.memory_space<hbm>>
    tpu.enqueue_indirect_dma source(%dma_start3A_34 : memref<2600000x32xf32, #tpu.memory_space<hbm>>) target(%arg7 : memref<1664x32xf32, #tpu.memory_space<vmem>>) offsets(%dma_start3A_31 : memref<1664xi32, #tpu.memory_space<vmem>>) semaphore(%arg9 : memref<!tpu.dma_semaphore, #tpu.memory_space<semaphore_mem>>)
    %dma_wait3A_35 = arith.constant 3328 : i32
    %dma_wait3A_36 = tpu.memref_slice %arg5[%dma_wait3A_35] : memref<13312xi32, #tpu.memory_space<vmem>> -> memref<1664xi32, #tpu.memory_space<vmem>>
    %dma_wait3A_37 = arith.constant 0 : i32
    %dma_wait3A_38 = arith.constant 0 : i32
    %dma_wait3A_39 = tpu.memref_slice %arg2[%dma_wait3A_37, %dma_wait3A_38] : memref<2600000x32xf32, #tpu.memory_space<hbm>> -> memref<2600000x32xf32, #tpu.memory_space<hbm>>
    tpu.wait_indirect_dma semaphore(%arg8 : memref<!tpu.dma_semaphore, #tpu.memory_space<semaphore_mem>>) src(%dma_wait3A_39 : memref<2600000x32xf32, #tpu.memory_space<hbm>>) dst(%arg6 : memref<1664x32xf32, #tpu.memory_space<vmem>>)
    %add3A_40 = arith.constant 3328 : i32
    %add3A_41 = arith.addi %mul3A_2, %add3A_40 : i32
    "tpu.region"() ({
      %run_scoped3A = tpu.sem_alloc : memref<!tpu.dma_semaphore, #tpu.memory_space<semaphore_mem>>
      %dma_start3A_97 = arith.constant 0 : i32
      %dma_start3A_98 = tpu.memref_slice %arg4[%add3A_41, %dma_start3A_97] : memref<425984x32xf32, #tpu.memory_space<hbm>> -> memref<1664x32xf32, #tpu.memory_space<hbm>>
      %dma_start3A_99 = arith.constant 0 : i32
      %dma_start3A_100 = tpu.memref_slice %arg4[%add3A_41, %dma_start3A_99] : memref<425984x32xf32, #tpu.memory_space<hbm>> -> memref<1664x32xf32, #tpu.memory_space<hbm>>
      tpu.enqueue_dma source(%arg6 : memref<1664x32xf32, #tpu.memory_space<vmem>>) target(%dma_start3A_100 : memref<1664x32xf32, #tpu.memory_space<hbm>>) target_semaphore(%run_scoped3A : memref<!tpu.dma_semaphore, #tpu.memory_space<semaphore_mem>>)
      %dma_wait3A_101 = arith.constant 0 : i32
      %dma_wait3A_102 = tpu.memref_slice %arg4[%add3A_41, %dma_wait3A_101] : memref<425984x32xf32, #tpu.memory_space<hbm>> -> memref<1664x32xf32, #tpu.memory_space<hbm>>
      %dma_wait3A_103 = arith.constant 0 : i32
      %dma_wait3A_104 = tpu.memref_slice %arg4[%add3A_41, %dma_wait3A_103] : memref<425984x32xf32, #tpu.memory_space<hbm>> -> memref<1664x32xf32, #tpu.memory_space<hbm>>
      tpu.wait_dma2 semaphore(%run_scoped3A : memref<!tpu.dma_semaphore, #tpu.memory_space<semaphore_mem>>) src(%arg6 : memref<1664x32xf32, #tpu.memory_space<vmem>>) dst(%dma_wait3A_104 : memref<1664x32xf32, #tpu.memory_space<hbm>>)
      tpu.yield
    }) : () -> ()
    %dma_start3A_42 = arith.constant 6656 : i32
    %dma_start3A_43 = tpu.memref_slice %arg5[%dma_start3A_42] : memref<13312xi32, #tpu.memory_space<vmem>> -> memref<1664xi32, #tpu.memory_space<vmem>>
    %dma_start3A_44 = arith.constant 0 : i32
    %dma_start3A_45 = arith.constant 0 : i32
    %dma_start3A_46 = tpu.memref_slice %arg2[%dma_start3A_44, %dma_start3A_45] : memref<2600000x32xf32, #tpu.memory_space<hbm>> -> memref<2600000x32xf32, #tpu.memory_space<hbm>>
    tpu.enqueue_indirect_dma source(%dma_start3A_46 : memref<2600000x32xf32, #tpu.memory_space<hbm>>) target(%arg6 : memref<1664x32xf32, #tpu.memory_space<vmem>>) offsets(%dma_start3A_43 : memref<1664xi32, #tpu.memory_space<vmem>>) semaphore(%arg8 : memref<!tpu.dma_semaphore, #tpu.memory_space<semaphore_mem>>)
    %dma_wait3A_47 = arith.constant 4992 : i32
    %dma_wait3A_48 = tpu.memref_slice %arg5[%dma_wait3A_47] : memref<13312xi32, #tpu.memory_space<vmem>> -> memref<1664xi32, #tpu.memory_space<vmem>>
    %dma_wait3A_49 = arith.constant 0 : i32
    %dma_wait3A_50 = arith.constant 0 : i32
    %dma_wait3A_51 = tpu.memref_slice %arg2[%dma_wait3A_49, %dma_wait3A_50] : memref<2600000x32xf32, #tpu.memory_space<hbm>> -> memref<2600000x32xf32, #tpu.memory_space<hbm>>
    tpu.wait_indirect_dma semaphore(%arg9 : memref<!tpu.dma_semaphore, #tpu.memory_space<semaphore_mem>>) src(%dma_wait3A_51 : memref<2600000x32xf32, #tpu.memory_space<hbm>>) dst(%arg7 : memref<1664x32xf32, #tpu.memory_space<vmem>>)
    %add3A_52 = arith.constant 4992 : i32
    %add3A_53 = arith.addi %mul3A_2, %add3A_52 : i32
    "tpu.region"() ({
      %run_scoped3A = tpu.sem_alloc : memref<!tpu.dma_semaphore, #tpu.memory_space<semaphore_mem>>
      %dma_start3A_97 = arith.constant 0 : i32
      %dma_start3A_98 = tpu.memref_slice %arg4[%add3A_53, %dma_start3A_97] : memref<425984x32xf32, #tpu.memory_space<hbm>> -> memref<1664x32xf32, #tpu.memory_space<hbm>>
      %dma_start3A_99 = arith.constant 0 : i32
      %dma_start3A_100 = tpu.memref_slice %arg4[%add3A_53, %dma_start3A_99] : memref<425984x32xf32, #tpu.memory_space<hbm>> -> memref<1664x32xf32, #tpu.memory_space<hbm>>
      tpu.enqueue_dma source(%arg7 : memref<1664x32xf32, #tpu.memory_space<vmem>>) target(%dma_start3A_100 : memref<1664x32xf32, #tpu.memory_space<hbm>>) target_semaphore(%run_scoped3A : memref<!tpu.dma_semaphore, #tpu.memory_space<semaphore_mem>>)
      %dma_wait3A_101 = arith.constant 0 : i32
      %dma_wait3A_102 = tpu.memref_slice %arg4[%add3A_53, %dma_wait3A_101] : memref<425984x32xf32, #tpu.memory_space<hbm>> -> memref<1664x32xf32, #tpu.memory_space<hbm>>
      %dma_wait3A_103 = arith.constant 0 : i32
      %dma_wait3A_104 = tpu.memref_slice %arg4[%add3A_53, %dma_wait3A_103] : memref<425984x32xf32, #tpu.memory_space<hbm>> -> memref<1664x32xf32, #tpu.memory_space<hbm>>
      tpu.wait_dma2 semaphore(%run_scoped3A : memref<!tpu.dma_semaphore, #tpu.memory_space<semaphore_mem>>) src(%arg7 : memref<1664x32xf32, #tpu.memory_space<vmem>>) dst(%dma_wait3A_104 : memref<1664x32xf32, #tpu.memory_space<hbm>>)
      tpu.yield
    }) : () -> ()
    %dma_start3A_54 = arith.constant 8320 : i32
    %dma_start3A_55 = tpu.memref_slice %arg5[%dma_start3A_54] : memref<13312xi32, #tpu.memory_space<vmem>> -> memref<1664xi32, #tpu.memory_space<vmem>>
    %dma_start3A_56 = arith.constant 0 : i32
    %dma_start3A_57 = arith.constant 0 : i32
    %dma_start3A_58 = tpu.memref_slice %arg2[%dma_start3A_56, %dma_start3A_57] : memref<2600000x32xf32, #tpu.memory_space<hbm>> -> memref<2600000x32xf32, #tpu.memory_space<hbm>>
    tpu.enqueue_indirect_dma source(%dma_start3A_58 : memref<2600000x32xf32, #tpu.memory_space<hbm>>) target(%arg7 : memref<1664x32xf32, #tpu.memory_space<vmem>>) offsets(%dma_start3A_55 : memref<1664xi32, #tpu.memory_space<vmem>>) semaphore(%arg9 : memref<!tpu.dma_semaphore, #tpu.memory_space<semaphore_mem>>)
    %dma_wait3A_59 = arith.constant 6656 : i32
    %dma_wait3A_60 = tpu.memref_slice %arg5[%dma_wait3A_59] : memref<13312xi32, #tpu.memory_space<vmem>> -> memref<1664xi32, #tpu.memory_space<vmem>>
    %dma_wait3A_61 = arith.constant 0 : i32
    %dma_wait3A_62 = arith.constant 0 : i32
    %dma_wait3A_63 = tpu.memref_slice %arg2[%dma_wait3A_61, %dma_wait3A_62] : memref<2600000x32xf32, #tpu.memory_space<hbm>> -> memref<2600000x32xf32, #tpu.memory_space<hbm>>
    tpu.wait_indirect_dma semaphore(%arg8 : memref<!tpu.dma_semaphore, #tpu.memory_space<semaphore_mem>>) src(%dma_wait3A_63 : memref<2600000x32xf32, #tpu.memory_space<hbm>>) dst(%arg6 : memref<1664x32xf32, #tpu.memory_space<vmem>>)
    %add3A_64 = arith.constant 6656 : i32
    %add3A_65 = arith.addi %mul3A_2, %add3A_64 : i32
    "tpu.region"() ({
      %run_scoped3A = tpu.sem_alloc : memref<!tpu.dma_semaphore, #tpu.memory_space<semaphore_mem>>
      %dma_start3A_97 = arith.constant 0 : i32
      %dma_start3A_98 = tpu.memref_slice %arg4[%add3A_65, %dma_start3A_97] : memref<425984x32xf32, #tpu.memory_space<hbm>> -> memref<1664x32xf32, #tpu.memory_space<hbm>>
      %dma_start3A_99 = arith.constant 0 : i32
      %dma_start3A_100 = tpu.memref_slice %arg4[%add3A_65, %dma_start3A_99] : memref<425984x32xf32, #tpu.memory_space<hbm>> -> memref<1664x32xf32, #tpu.memory_space<hbm>>
      tpu.enqueue_dma source(%arg6 : memref<1664x32xf32, #tpu.memory_space<vmem>>) target(%dma_start3A_100 : memref<1664x32xf32, #tpu.memory_space<hbm>>) target_semaphore(%run_scoped3A : memref<!tpu.dma_semaphore, #tpu.memory_space<semaphore_mem>>)
      %dma_wait3A_101 = arith.constant 0 : i32
      %dma_wait3A_102 = tpu.memref_slice %arg4[%add3A_65, %dma_wait3A_101] : memref<425984x32xf32, #tpu.memory_space<hbm>> -> memref<1664x32xf32, #tpu.memory_space<hbm>>
      %dma_wait3A_103 = arith.constant 0 : i32
      %dma_wait3A_104 = tpu.memref_slice %arg4[%add3A_65, %dma_wait3A_103] : memref<425984x32xf32, #tpu.memory_space<hbm>> -> memref<1664x32xf32, #tpu.memory_space<hbm>>
      tpu.wait_dma2 semaphore(%run_scoped3A : memref<!tpu.dma_semaphore, #tpu.memory_space<semaphore_mem>>) src(%arg6 : memref<1664x32xf32, #tpu.memory_space<vmem>>) dst(%dma_wait3A_104 : memref<1664x32xf32, #tpu.memory_space<hbm>>)
      tpu.yield
    }) : () -> ()
    %dma_start3A_66 = arith.constant 9984 : i32
    %dma_start3A_67 = tpu.memref_slice %arg5[%dma_start3A_66] : memref<13312xi32, #tpu.memory_space<vmem>> -> memref<1664xi32, #tpu.memory_space<vmem>>
    %dma_start3A_68 = arith.constant 0 : i32
    %dma_start3A_69 = arith.constant 0 : i32
    %dma_start3A_70 = tpu.memref_slice %arg2[%dma_start3A_68, %dma_start3A_69] : memref<2600000x32xf32, #tpu.memory_space<hbm>> -> memref<2600000x32xf32, #tpu.memory_space<hbm>>
    tpu.enqueue_indirect_dma source(%dma_start3A_70 : memref<2600000x32xf32, #tpu.memory_space<hbm>>) target(%arg6 : memref<1664x32xf32, #tpu.memory_space<vmem>>) offsets(%dma_start3A_67 : memref<1664xi32, #tpu.memory_space<vmem>>) semaphore(%arg8 : memref<!tpu.dma_semaphore, #tpu.memory_space<semaphore_mem>>)
    %dma_wait3A_71 = arith.constant 8320 : i32
    %dma_wait3A_72 = tpu.memref_slice %arg5[%dma_wait3A_71] : memref<13312xi32, #tpu.memory_space<vmem>> -> memref<1664xi32, #tpu.memory_space<vmem>>
    %dma_wait3A_73 = arith.constant 0 : i32
    %dma_wait3A_74 = arith.constant 0 : i32
    %dma_wait3A_75 = tpu.memref_slice %arg2[%dma_wait3A_73, %dma_wait3A_74] : memref<2600000x32xf32, #tpu.memory_space<hbm>> -> memref<2600000x32xf32, #tpu.memory_space<hbm>>
    tpu.wait_indirect_dma semaphore(%arg9 : memref<!tpu.dma_semaphore, #tpu.memory_space<semaphore_mem>>) src(%dma_wait3A_75 : memref<2600000x32xf32, #tpu.memory_space<hbm>>) dst(%arg7 : memref<1664x32xf32, #tpu.memory_space<vmem>>)
    %add3A_76 = arith.constant 8320 : i32
    %add3A_77 = arith.addi %mul3A_2, %add3A_76 : i32
    "tpu.region"() ({
      %run_scoped3A = tpu.sem_alloc : memref<!tpu.dma_semaphore, #tpu.memory_space<semaphore_mem>>
      %dma_start3A_97 = arith.constant 0 : i32
      %dma_start3A_98 = tpu.memref_slice %arg4[%add3A_77, %dma_start3A_97] : memref<425984x32xf32, #tpu.memory_space<hbm>> -> memref<1664x32xf32, #tpu.memory_space<hbm>>
      %dma_start3A_99 = arith.constant 0 : i32
      %dma_start3A_100 = tpu.memref_slice %arg4[%add3A_77, %dma_start3A_99] : memref<425984x32xf32, #tpu.memory_space<hbm>> -> memref<1664x32xf32, #tpu.memory_space<hbm>>
      tpu.enqueue_dma source(%arg7 : memref<1664x32xf32, #tpu.memory_space<vmem>>) target(%dma_start3A_100 : memref<1664x32xf32, #tpu.memory_space<hbm>>) target_semaphore(%run_scoped3A : memref<!tpu.dma_semaphore, #tpu.memory_space<semaphore_mem>>)
      %dma_wait3A_101 = arith.constant 0 : i32
      %dma_wait3A_102 = tpu.memref_slice %arg4[%add3A_77, %dma_wait3A_101] : memref<425984x32xf32, #tpu.memory_space<hbm>> -> memref<1664x32xf32, #tpu.memory_space<hbm>>
      %dma_wait3A_103 = arith.constant 0 : i32
      %dma_wait3A_104 = tpu.memref_slice %arg4[%add3A_77, %dma_wait3A_103] : memref<425984x32xf32, #tpu.memory_space<hbm>> -> memref<1664x32xf32, #tpu.memory_space<hbm>>
      tpu.wait_dma2 semaphore(%run_scoped3A : memref<!tpu.dma_semaphore, #tpu.memory_space<semaphore_mem>>) src(%arg7 : memref<1664x32xf32, #tpu.memory_space<vmem>>) dst(%dma_wait3A_104 : memref<1664x32xf32, #tpu.memory_space<hbm>>)
      tpu.yield
    }) : () -> ()
    %dma_start3A_78 = arith.constant 11648 : i32
    %dma_start3A_79 = tpu.memref_slice %arg5[%dma_start3A_78] : memref<13312xi32, #tpu.memory_space<vmem>> -> memref<1664xi32, #tpu.memory_space<vmem>>
    %dma_start3A_80 = arith.constant 0 : i32
    %dma_start3A_81 = arith.constant 0 : i32
    %dma_start3A_82 = tpu.memref_slice %arg2[%dma_start3A_80, %dma_start3A_81] : memref<2600000x32xf32, #tpu.memory_space<hbm>> -> memref<2600000x32xf32, #tpu.memory_space<hbm>>
    tpu.enqueue_indirect_dma source(%dma_start3A_82 : memref<2600000x32xf32, #tpu.memory_space<hbm>>) target(%arg7 : memref<1664x32xf32, #tpu.memory_space<vmem>>) offsets(%dma_start3A_79 : memref<1664xi32, #tpu.memory_space<vmem>>) semaphore(%arg9 : memref<!tpu.dma_semaphore, #tpu.memory_space<semaphore_mem>>)
    %dma_wait3A_83 = arith.constant 9984 : i32
    %dma_wait3A_84 = tpu.memref_slice %arg5[%dma_wait3A_83] : memref<13312xi32, #tpu.memory_space<vmem>> -> memref<1664xi32, #tpu.memory_space<vmem>>
    %dma_wait3A_85 = arith.constant 0 : i32
    %dma_wait3A_86 = arith.constant 0 : i32
    %dma_wait3A_87 = tpu.memref_slice %arg2[%dma_wait3A_85, %dma_wait3A_86] : memref<2600000x32xf32, #tpu.memory_space<hbm>> -> memref<2600000x32xf32, #tpu.memory_space<hbm>>
    tpu.wait_indirect_dma semaphore(%arg8 : memref<!tpu.dma_semaphore, #tpu.memory_space<semaphore_mem>>) src(%dma_wait3A_87 : memref<2600000x32xf32, #tpu.memory_space<hbm>>) dst(%arg6 : memref<1664x32xf32, #tpu.memory_space<vmem>>)
    %add3A_88 = arith.constant 9984 : i32
    %add3A_89 = arith.addi %mul3A_2, %add3A_88 : i32
    "tpu.region"() ({
      %run_scoped3A = tpu.sem_alloc : memref<!tpu.dma_semaphore, #tpu.memory_space<semaphore_mem>>
      %dma_start3A_97 = arith.constant 0 : i32
      %dma_start3A_98 = tpu.memref_slice %arg4[%add3A_89, %dma_start3A_97] : memref<425984x32xf32, #tpu.memory_space<hbm>> -> memref<1664x32xf32, #tpu.memory_space<hbm>>
      %dma_start3A_99 = arith.constant 0 : i32
      %dma_start3A_100 = tpu.memref_slice %arg4[%add3A_89, %dma_start3A_99] : memref<425984x32xf32, #tpu.memory_space<hbm>> -> memref<1664x32xf32, #tpu.memory_space<hbm>>
      tpu.enqueue_dma source(%arg6 : memref<1664x32xf32, #tpu.memory_space<vmem>>) target(%dma_start3A_100 : memref<1664x32xf32, #tpu.memory_space<hbm>>) target_semaphore(%run_scoped3A : memref<!tpu.dma_semaphore, #tpu.memory_space<semaphore_mem>>)
      %dma_wait3A_101 = arith.constant 0 : i32
      %dma_wait3A_102 = tpu.memref_slice %arg4[%add3A_89, %dma_wait3A_101] : memref<425984x32xf32, #tpu.memory_space<hbm>> -> memref<1664x32xf32, #tpu.memory_space<hbm>>
      %dma_wait3A_103 = arith.constant 0 : i32
      %dma_wait3A_104 = tpu.memref_slice %arg4[%add3A_89, %dma_wait3A_103] : memref<425984x32xf32, #tpu.memory_space<hbm>> -> memref<1664x32xf32, #tpu.memory_space<hbm>>
      tpu.wait_dma2 semaphore(%run_scoped3A : memref<!tpu.dma_semaphore, #tpu.memory_space<semaphore_mem>>) src(%arg6 : memref<1664x32xf32, #tpu.memory_space<vmem>>) dst(%dma_wait3A_104 : memref<1664x32xf32, #tpu.memory_space<hbm>>)
      tpu.yield
    }) : () -> ()
    %dma_wait3A_90 = arith.constant 11648 : i32
    %dma_wait3A_91 = tpu.memref_slice %arg5[%dma_wait3A_90] : memref<13312xi32, #tpu.memory_space<vmem>> -> memref<1664xi32, #tpu.memory_space<vmem>>
    %dma_wait3A_92 = arith.constant 0 : i32
    %dma_wait3A_93 = arith.constant 0 : i32
    %dma_wait3A_94 = tpu.memref_slice %arg2[%dma_wait3A_92, %dma_wait3A_93] : memref<2600000x32xf32, #tpu.memory_space<hbm>> -> memref<2600000x32xf32, #tpu.memory_space<hbm>>
    tpu.wait_indirect_dma semaphore(%arg9 : memref<!tpu.dma_semaphore, #tpu.memory_space<semaphore_mem>>) src(%dma_wait3A_94 : memref<2600000x32xf32, #tpu.memory_space<hbm>>) dst(%arg7 : memref<1664x32xf32, #tpu.memory_space<vmem>>)
    %add3A_95 = arith.constant 11648 : i32
    %add3A_96 = arith.addi %mul3A_2, %add3A_95 : i32
    "tpu.region"() ({
      %run_scoped3A = tpu.sem_alloc : memref<!tpu.dma_semaphore, #tpu.memory_space<semaphore_mem>>
      %dma_start3A_97 = arith.constant 0 : i32
      %dma_start3A_98 = tpu.memref_slice %arg4[%add3A_96, %dma_start3A_97] : memref<425984x32xf32, #tpu.memory_space<hbm>> -> memref<1664x32xf32, #tpu.memory_space<hbm>>
      %dma_start3A_99 = arith.constant 0 : i32
      %dma_start3A_100 = tpu.memref_slice %arg4[%add3A_96, %dma_start3A_99] : memref<425984x32xf32, #tpu.memory_space<hbm>> -> memref<1664x32xf32, #tpu.memory_space<hbm>>
      tpu.enqueue_dma source(%arg7 : memref<1664x32xf32, #tpu.memory_space<vmem>>) target(%dma_start3A_100 : memref<1664x32xf32, #tpu.memory_space<hbm>>) target_semaphore(%run_scoped3A : memref<!tpu.dma_semaphore, #tpu.memory_space<semaphore_mem>>)
      %dma_wait3A_101 = arith.constant 0 : i32
      %dma_wait3A_102 = tpu.memref_slice %arg4[%add3A_96, %dma_wait3A_101] : memref<425984x32xf32, #tpu.memory_space<hbm>> -> memref<1664x32xf32, #tpu.memory_space<hbm>>
      %dma_wait3A_103 = arith.constant 0 : i32
      %dma_wait3A_104 = tpu.memref_slice %arg4[%add3A_96, %dma_wait3A_103] : memref<425984x32xf32, #tpu.memory_space<hbm>> -> memref<1664x32xf32, #tpu.memory_space<hbm>>
      tpu.wait_dma2 semaphore(%run_scoped3A : memref<!tpu.dma_semaphore, #tpu.memory_space<semaphore_mem>>) src(%arg7 : memref<1664x32xf32, #tpu.memory_space<vmem>>) dst(%dma_wait3A_104 : memref<1664x32xf32, #tpu.memory_space<hbm>>)
      tpu.yield
    }) : () -> ()
    return
  }
}

module attributes {stable_mosaic.version = 14 : i64} {
  func.func @body(%arg0: i32, %arg1: memref<1024x832xf32, #tpu.memory_space<vmem>>, %arg2: memref<256x832xf32, #tpu.memory_space<vmem>>, %arg3: memref<1x256xf32, #tpu.memory_space<vmem>>, %arg4: memref<1x256xf32, #tpu.memory_space<vmem>>, %arg5: memref<1xf32, #tpu.memory_space<vmem>>, %arg6: memref<1024xf32, #tpu.memory_space<vmem>>) attributes {dimension_semantics = [#tpu.dimension_semantics<arbitrary>], iteration_bounds = array<i64: 16>, scalar_prefetch = 0 : i64, scratch_operands = 0 : i64, tpu.core_type = #tpu.core_type<tc>, window_params = [{transform_indices = @transform_0, window_bounds = array<i64: 1024, 832>}, {pipeline_mode = #tpu.pipeline_mode<synchronous>, transform_indices = @transform_1, window_bounds = array<i64: 256, 832>}, {pipeline_mode = #tpu.pipeline_mode<synchronous>, transform_indices = @transform_2, window_bounds = array<i64: 1, 256>}, {pipeline_mode = #tpu.pipeline_mode<synchronous>, transform_indices = @transform_3, window_bounds = array<i64: 1, 256>}, {pipeline_mode = #tpu.pipeline_mode<synchronous>, transform_indices = @transform_4, window_bounds = array<i64: 1>}, {transform_indices = @transform_5, window_bounds = array<i64: 1024>}]} {
    %get3A = arith.constant 0 : index
    %get3A_0 = arith.constant 0 : index
    %get3A_1 = vector.load %arg1[%get3A, %get3A_0] : memref<1024x832xf32, #tpu.memory_space<vmem>>, vector<1024x832xf32>
    %get3A_2 = arith.constant 0 : index
    %get3A_3 = arith.constant 0 : index
    %get3A_4 = vector.load %arg2[%get3A_2, %get3A_3] : memref<256x832xf32, #tpu.memory_space<vmem>>, vector<256x832xf32>
    %dot_general3A = arith.constant dense<0.000000e+00> : vector<1024x256xf32>
    %dot_general3A_5 = tpu.matmul %get3A_1, %get3A_4, %dot_general3A {dimension_numbers = #tpu.dot_dimension_numbers<[1], [1], [0], [0], [0, 0, 1, 0], [], []>, transpose_lhs_hint = false} : vector<1024x832xf32>, vector<256x832xf32>, vector<1024x256xf32> -> vector<1024x256xf32>
    %get3A_6 = arith.constant 0 : index
    %get3A_7 = arith.constant 0 : index
    %get3A_8 = vector.load %arg3[%get3A_6, %get3A_7] : memref<1x256xf32, #tpu.memory_space<vmem>>, vector<1x256xf32>
    %add3A = vector.broadcast %get3A_8 : vector<1x256xf32> to vector<1024x256xf32>
    %add3A_9 = arith.addf %dot_general3A_5, %add3A : vector<1024x256xf32>
    %max3A = arith.constant 0.000000e+00 : f32
    %max3A_10 = vector.broadcast %max3A : f32 to vector<1024x256xf32>
    %max3A_11 = arith.maximumf %add3A_9, %max3A_10 : vector<1024x256xf32>
    %get3A_12 = arith.constant 0 : index
    %get3A_13 = arith.constant 0 : index
    %get3A_14 = vector.load %arg4[%get3A_12, %get3A_13] : memref<1x256xf32, #tpu.memory_space<vmem>>, vector<1x256xf32>
    %mul3A = vector.broadcast %get3A_14 : vector<1x256xf32> to vector<1024x256xf32>
    %mul3A_15 = arith.mulf %max3A_11, %mul3A : vector<1024x256xf32>
    %reduce_sum3A = arith.constant dense<0.000000e+00> : vector<1024xf32>
    %reduce_sum3A_16 = vector.multi_reduction <add>, %mul3A_15, %reduce_sum3A [1] : vector<1024x256xf32> to vector<1024xf32>
    %get3A_17 = arith.constant 0 : index
    %get3A_18 = vector.load %arg5[%get3A_17] : memref<1xf32, #tpu.memory_space<vmem>>, vector<1xf32>
    %get3A_19 = vector.extract %get3A_18[0] : f32 from vector<1xf32>
    %add3A_20 = vector.broadcast %get3A_19 : f32 to vector<1024xf32>
    %add3A_21 = arith.addf %reduce_sum3A_16, %add3A_20 : vector<1024xf32>
    %swap3A = arith.constant 0 : index
    %swap3A_22 = vector.load %arg6[%swap3A] : memref<1024xf32, #tpu.memory_space<vmem>>, vector<1024xf32>
    tpu.vector_store %arg6[%swap3A], %add3A_21 {strides = array<i32>} : memref<1024xf32, #tpu.memory_space<vmem>>, vector<1024xf32>,
    return
  }
  func.func @transform_0(%arg0: i32) -> (i32, i32) {
    %c0_i32 = arith.constant 0 : i32
    %c0_i32_0 = arith.constant 0 : i32
    return %arg0, %c0_i32 : i32, i32
  }
  func.func @transform_1(%arg0: i32) -> (i32, i32) {
    %c0_i32 = arith.constant 0 : i32
    %c0_i32_0 = arith.constant 0 : i32
    %c0_i32_1 = arith.constant 0 : i32
    return %c0_i32, %c0_i32_0 : i32, i32
  }
  func.func @transform_2(%arg0: i32) -> (i32, i32) {
    %c0_i32 = arith.constant 0 : i32
    %c0_i32_0 = arith.constant 0 : i32
    %c0_i32_1 = arith.constant 0 : i32
    return %c0_i32, %c0_i32_0 : i32, i32
  }
  func.func @transform_3(%arg0: i32) -> (i32, i32) {
    %c0_i32 = arith.constant 0 : i32
    %c0_i32_0 = arith.constant 0 : i32
    %c0_i32_1 = arith.constant 0 : i32
    return %c0_i32, %c0_i32_0 : i32, i32
  }
  func.func @transform_4(%arg0: i32) -> i32 {
    %c0_i32 = arith.constant 0 : i32
    %c0_i32_0 = arith.constant 0 : i32
    return %c0_i32 : i32
  }
  func.func @transform_5(%arg0: i32) -> i32 {
    %c0_i32 = arith.constant 0 : i32
    return %arg0 : i32
  }
}

</mosaic_0001>

<sc_bundles>
// kernel: kernel.4.cloned.1.call-start
scs
__scs_entry_jumppad:
0x0: {  	(pc) =	sbr.rel $0x88, $3  }
0x1: {  	(tag) =	ssettag $0x0;
	lr =	simm.s32 $0x1  }
0x2: {  	[smem:$0x3F9B] =	sst lr;
	_ =	strace $0xD0000000  }
0x3: {  	_ = 	snop  }
0x4: {  	_ = 	snop  }
0x5: {  	_ = 	snop  }
0x6: {  	_ = 	snop  }
0x7: {  	_ = 	snop  }
__scs_overlays_trampoline_lowered:
0x8: {  	[smem:$0x3FAA] =	sst s0  }
0x9: {  	[smem:$0x3FAB] =	sst s1  }
0xa: {  	[smem:$0x3FAC] =	sst s2  }
0xb: {  	[smem:$0x3FAD] =	sst s3  }
0xc: {  	[smem:$0x3FAE] =	sst s4  }
0xd: {  	[smem:$0x3FAF] =	sst s5  }
0xe: {  	[smem:$0x3FB0] =	sst s6  }
0xf: {  	[smem:$0x3FB1] =	sst s7  }
0x10: {  	[smem:$0x3FB2] =	sst s8  }
0x11: {  	[smem:$0x3FB3] =	sst s9;
	s0 =	simm.s32 @!p0 $0x0  }
0x12: {  	s1 =	sld [smem:$0x3F99];
	s0 =	simm.s32 @p0 $0x1  }
0x13: {  	[smem:$0x3FB4] =	sst s0;
	s0 =	simm.s32 @!p1 $0x0  }
0x14: {  	s2 =	sld [smem:$0x3F98];
	s0 =	simm.s32 @p1 $0x1  }
0x15: {  	[smem:$0x3FB5] =	sst s0;
	s0 =	simm.s32 @!p2 $0x0  }
0x16: {  	s3 =	sld [smem:$0x3FDB];
	s0 =	simm.s32 @p2 $0x1  }
0x17: {  	s4 =	simm.s32 $0x1BF5;
	[smem:$0x3FB7] =	sst s0  }
0x18: {  	s0 =	sld [smem:$0x3F9A];
	_ =	swait.ge [sflag:s4], $0x0  }
0x19: {  	s7 =	sld [smem:$0x3F9B]  }
0x1a: {  	s8 =	sadd.s32 $0xFFFFE003, lr  }
0x1b: {  	s9 =	sadd.s32 $0xFFFFFEF7, lr;
	s5 =	simm.s32 $0xFFFFFFFF;
	p2 =	slt.u32 s8, $0xFFFFF086  }
0x1c: {  	p1 =	slt.u32 s9, $0xF7A;
	s5 =	simm.s32 @!p2 $0x0  }
0x1d: {  	s5 =	simm.s32 @p1 $0x1;
	p0 =	seq.s32 s7, s2  }
0x1e: {  	s7 =	smul.u32 @!p0 $0xF7A, s2;
	p2 =	seq.s32 @!p0 s5, $0x0  }
0x1f: {  	s9 =	smul.u32 $0xF7A, s1;
	s8 =	simm.s32 @!p0 $0x1BF5;
	p2 =	por !p2, p0  }
0x20: {  	[sflag:s8] =	ssyncset.s32 @!p0 $0xFFFFF086;
	s6 =	sadd.s32 @!p0 s3, s7;
	s7 =	simm.s32 @!p0 $0x108  }
0x21: {  	s3 =	sadd.s32 s3, s9;
	s6 =	sadd.s32 @!p0 $0x88, s6;
	s7 =	simm.s32 @p2 $0x1082  }
0x22: {  	[simem:s7], [sflag:s8] =	dma.local @!p0 [hbm:s6], $0xF7A  }
0x23: {  	s9 =	sor.u32 $0xD0000000, s2;
	s6 =	simm.s32 $0x108;
	_ =	swait.ge @!p0 [sflag:s8], $0x0  }
0x24: {  	s3 =	sadd.s32 $0x88, s3;
	s6 =	simm.s32 @!p1 $0x1082;
	[sflag:s4] =	ssyncset.s32 $0xFFFFF086  }
0x25: {  	[simem:s6], [sflag:s4] =	dma.local [hbm:s3], $0xF7A  }
0x26: {  	[smem:$0x3F9B] =	sst s1;
	(tag) =	ssettag s2;
	_ =	strace s9  }
0x27: {  	s1 =	sld [smem:$0x3FAB]  }
0x28: {  	s2 =	sld [smem:$0x3FAC]  }
0x29: {  	s4 =	sld [smem:$0x3FAE]  }
0x2a: {  	p0 =	seq.s32 s5, $0x0;
	s5 =	sld [smem:$0x3FAF]  }
0x2b: {  	s6 =	sld [smem:$0x3FB0]  }
0x2c: {  	s7 =	sld [smem:$0x3FB1]  }
0x2d: {  	s3 =	simm.s32 $0x108;
	s8 =	sld [smem:$0x3FB2]  }
0x2e: {  	s3 =	simm.s32 @!p0 $0x1082;
	s9 =	sld [smem:$0x3FB3]  }
0x2f: {  	lr =	sadd.s32 s0, s3;
	s0 =	sld [smem:$0x3FAA]  }
0x30: {  	s3 =	sld [smem:$0x3FAD]  }
0x31: {  	[smem:$0x3FB6] =	sst s10  }
0x32: {  	s10 =	sld [smem:$0x3FB4];
	_ =	sdelay $0x3  }
0x33: {  	p0 =	seq.s32 s10, $0x1;
	s10 =	sld [smem:$0x3FB6];
	_ =	sdelay $0x3  }
0x34: {  	[smem:$0x3FB6] =	sst s10  }
0x35: {  	s10 =	sld [smem:$0x3FB5];
	_ =	sdelay $0x3  }
0x36: {  	p1 =	seq.s32 s10, $0x1;
	s10 =	sld [smem:$0x3FB6];
	_ =	sdelay $0x3  }
0x37: {  	[smem:$0x3FB6] =	sst s10  }
0x38: {  	s10 =	sld [smem:$0x3FB7]  }
0x39: {  	_ = 	snop;
	(pc) =	sbr.ind lr, $3  }
0x3a: {  	_ = 	snop  }
0x3b: {  	_ = 	snop  }
0x3c: {  	p2 =	seq.s32 s10, $0x1;
	s10 =	sld [smem:$0x3FB6]  }
0x3d: {  	_ =	shalt  }
0x3e: {  	_ =	shalt  }
0x3f: {  	_ =	shalt  }
0x40: {  	_ =	shalt  }
0x41: {  	_ =	shalt  }
0x42: {  	_ =	shalt  }
0x43: {  	_ =	shalt  }
0x44: {  	_ =	shalt  }
0x45: {  	_ =	shalt  }
0x46: {  	_ =	shalt  }
0x47: {  	_ =	shalt  }
0x48: {  	_ =	shalt  }
0x49: {  	_ =	shalt  }
0x4a: {  	_ =	shalt  }
0x4b: {  	_ =	shalt  }
0x4c: {  	_ =	shalt  }
0x4d: {  	_ =	shalt  }
0x4e: {  	_ =	shalt  }
0x4f: {  	_ =	shalt  }
0x50: {  	_ =	shalt  }
0x51: {  	_ =	shalt  }
0x52: {  	_ =	shalt  }
0x53: {  	_ =	shalt  }
0x54: {  	_ =	shalt  }
0x55: {  	_ =	shalt  }
0x56: {  	_ =	shalt  }
0x57: {  	_ =	shalt  }
0x58: {  	_ =	shalt  }
0x59: {  	_ =	shalt  }
0x5a: {  	_ =	shalt  }
0x5b: {  	_ =	shalt  }
0x5c: {  	_ =	shalt  }
0x5d: {  	_ =	shalt  }
0x5e: {  	_ =	shalt  }
0x5f: {  	_ =	shalt  }
0x60: {  	_ =	shalt  }
0x61: {  	_ =	shalt  }
0x62: {  	_ =	shalt  }
0x63: {  	_ =	shalt  }
0x64: {  	_ =	shalt  }
0x65: {  	_ =	shalt  }
0x66: {  	_ =	shalt  }
0x67: {  	_ =	shalt  }
0x68: {  	_ =	shalt  }
0x69: {  	_ =	shalt  }
0x6a: {  	_ =	shalt  }
0x6b: {  	_ =	shalt  }
0x6c: {  	_ =	shalt  }
0x6d: {  	_ =	shalt  }
0x6e: {  	_ =	shalt  }
0x6f: {  	_ =	shalt  }
0x70: {  	_ =	shalt  }
0x71: {  	_ =	shalt  }
0x72: {  	_ =	shalt  }
0x73: {  	_ =	shalt  }
0x74: {  	_ =	shalt  }
0x75: {  	_ =	shalt  }
0x76: {  	_ =	shalt  }
0x77: {  	_ =	shalt  }
0x78: {  	_ =	shalt  }
0x79: {  	_ =	shalt  }
0x7a: {  	_ =	shalt  }
0x7b: {  	_ =	shalt  }
0x7c: {  	_ =	shalt  }
0x7d: {  	_ =	shalt  }
0x7e: {  	_ =	shalt  }
0x7f: {  	_ =	shalt  }
0x80: {  	_ =	shalt  }
0x81: {  	_ =	shalt  }
0x82: {  	_ =	shalt  }
0x83: {  	_ =	shalt  }
0x84: {  	_ =	shalt  }
0x85: {  	_ =	shalt  }
0x86: {  	_ =	shalt  }
0x87: {  	_ =	shalt  }
.Lfunc_end0:
.L_simem_size_0:
called_computation_lowered:
.L_overlay_start_0:
0x88: {  	s2 =	sld [smem:$0x3FD9]  }
0x89: {  	s3 =	sld [smem:$0x3FFE];
	_ =	sdelay $0x1  }
0x8a: {  	s1 =	srdreg.scid  }
0x8b: {  	s0 =	sand.u32 $0x1, s1  }
0x8c: {  	s16 =	sshll.u32 s0, $0xA;
	s2 =	sadd.s32 s3, s2  }
0x8d: {  	s2 =	sadd.s32 s2, s16  }
0x8e: {  	[smem:$0x3FC2] =	sst s2  }
0x8f: {  	_ = 	snop  }
0x90: {  	(tm) =	ssettm $0x1  }
0x91: {  	s17 =	sld [smem:$0x3FFB];
	_ =	sdelay $0x3  }
0x92: {  	_ =	strace s17  }
0x93: {  	s2 =	sld [smem:$0x3FFC];
	_ =	sdelay $0x3  }
0x94: {  	_ =	strace s2  }
0x95: {  	s2 =	sld [smem:$0x3FFD];
	_ =	sdelay $0x3  }
0x96: {  	_ =	strace s2  }
0x97: {  	_ =	strace $0x8FFFFFFF  }
0x98: {  	s18 =	sld [smem:$0x3FDB];
	_ =	sdelay $0x1  }
0x99: {  	s19 =	simm.s32 $_scs_section_size  }
0x9a: {  	s4 =	simm.s32 $_size__tile_overlayer_lowered;
	s5 =	simm.s32 $_tile_overlayer_lowered  }
0x9b: {  	s22 =	simm.s32 $0x1BFF;
	s21 =	sshll.u32 s5, $0x1;
	s2 =	sadd.s32 s19, s18  }
0x9c: {  	s6 =	simm.s32 $0x0;
	s20 =	sshll.u32 s4, $0x1;
	s4 =	sadd.s32 s21, s2  }
0x9d: {  	[timem:s6], [sflag:s22] =	dma.local [hbm:s4], s20  }
0x9e: {  	_ =	swait.ge [sflag:s22], s20  }
0x9f: {  	s3 =	ssub.s32 $0x0, s20;
	[sflag:s22] =	ssyncset.done $0x0  }
0xa0: {  	[sflag:s22] =	ssyncadd.s32 s3;
	_ =	sdelay $0x1  }
0xa1: {  	s23 =	simm.s32 $0x1B8B  }
0xa2: {  	_ =	swait.ge [sflag:s23], $0x1  }
0xa3: {  	[sflag:s23] =	ssyncset.done $0x0  }
0xa4: {  	s25 =	simm.s32 $0x1B8E;
	s24 =	sld [smem:$0x3FFE];
	[sflag:s23] =	ssyncadd.s32 $0xFFFFFFFF  }
0xa5: {  	s26 =	simm.s32 $execute0_lowered;
	[smem:$0x3FD2] =	sst s25  }
0xa6: {  	s4 =	sshll.u32 s26, $0x1;
	_ =	strace $0x80000046;
	[dreg:$0x1] =	wrdreg $0xFFFFFFFF  }
0xa7: {  	s28 =	simm.s32 $_size_execute0_lowered;
	s2 =	sadd.s32 s2, s4;
	[dreg:$0x0] =	wrdreg $0x0  }
0xa8: {  	s4 =	sshll.u32 s28, $0x1;
	[dreg:$0x2] =	wrdreg s2  }
0xa9: {  	[dreg:$0x3] =	wrdreg s4  }
0xaa: {  	[dreg:$0x4] =	wrdreg $0xC0  }
0xab: {  	_ =	task [dreg:s6], $0x5FFFF  }
0xac: {  	[dreg:$0x1] =	wrdreg $0xFFFFFFFF  }
0xad: {  	[dreg:$0x0] =	wrdreg $0x60  }
0xae: {  	[dreg:$0x2] =	wrdreg s24  }
0xaf: {  	[dreg:$0x3] =	wrdreg $0x9  }
0xb0: {  	_ =	task.clear_ibuf [dreg:s6], $0x4FFFF;
	_ =	strace $0x90000046  }
0xb1: {  	s29 =	simm.s32 $0x9;
	_ =	strace $0x80000048  }
0xb2: {  	_ =	swait.ge [sflag:s29], $0x1  }
0xb3: {  	[sflag:s29] =	ssyncadd.s32 $0xFFFFFFFF  }
0xb4: {  	_ =	strace $0x90000048  }
0xb5: {  	_ =	sfence  }
0xb6: {  	s30 =	sld [smem:$0x0];
	_ =	sdelay $0x2  }
0xb7: {  	s31 =	sshll.u32 s1, $0xD;
	s1 =	sshrl.u32 s1, $0x2  }
0xb8: {  	s3 =	sand.u32 $0x4000, s31;
	s1 =	sadd.s32 s1, s30  }
0xb9: {  	s0 =	sor.u32 s3, s0;
	s1 =	sshll.u32 s1, $0x11  }
0xba: {  	s0 =	sor.u32 s1, s0  }
0xbb: {  	s0 =	sadd.s32 $0x8F2B, s0  }
0xbc: {  	[sflag:s0] =	ssyncadd.remote.s32 $0x1  }
0xbd: {  	_ =	sfence.sel $0xFFFF  }
0xbe: {  	[dreg:$0x0] =	wrdreg $0xFFFFFFFF;
	(pc) =	sbr.abs _section_cstart, $3  }
0xbf: {  	[dreg:$0x1] =	wrdreg $0xFFFFFFFF  }
0xc0: {  	_ =	task.clear_ibuf [dreg:s6], $0x2FFFF;
	_ =	strace $0x9FFFFFFF  }
0xc1: {  	(tm) =	ssettm $0x7FFFFFFF  }
tec
execute0_lowered:
.L_overlay_start_1:
0x0: {  	(tag) =	ssettag $0x1  }
0x1: {  	s1 =	srdreg.scid;
	s0 =	stileid.u32  }
0x2: {  	s24 =	sand.u32 $0x1, s1;
	s30 =	sshll.u32 s0, $0x1  }
0x3: {  	s11 =	sor.u32 s24, s30  }
0x4: {  	s10 =	rddreg [dreg:$0x0];
	s3 =	smul.u32 $0x680, s11  }
0x5: {  	s2 =	simm.s32 $0x0;
	s1 =	rddreg [dreg:$0x1]  }
0x6: {  	[smem:$0x7FF] =	sst s2;
	s3 =	sadd.s32 s3, s10  }
0x7: {  	_ =	strace $0x80000047;
	s4 =	sadd.s32 $0xE00, s3;
	s3 =	simm.s32 $0x3  }
0x8: {  	[tilespmem:s2], [sflag:$0x3] =	stream.linear.gather [hbm4b:s4+s2], $0x3400, $0x38;
	[tilespmem:$0x1D400] =	vst v63  }
0x9: {  	_ =	swait.ge [sflag:s3], $0x3400  }
0xa: {  	s6 =	simm.s32 $0x680;
	[sflag:s3] =	ssyncset.done $0x0  }
0xb: {  	s7 =	simm.s32 $0x3400;
	s5 =	sadd.s32 $0x27AD200, s10;
	[sflag:s3] =	ssyncadd.s32 $0xFFFFCC00  }
0xc: {  	[tilespmem:s7], [sflag:$0x1] =	stream.indirect.gather [hbm4b:s5+s6], $0x20, s2, s6, $0xb8;
	[tilespmem:$0x1D400] =	vst v63  }
0xd: {  	s8 =	simm.s32 $0x10400;
	s9 =	simm.s32 $0x1  }
0xe: {  	[tilespmem:s8], [sflag:$0x2] =	stream.indirect.gather [hbm4b:s5+s6], $0x20, s6, s6, $0xb8;
	[tilespmem:$0x1D400] =	vst v63  }
0xf: {  	s12 =	smul.u32 $0xD000, s11;
	_ =	swait.ge [sflag:s9], $0xD000  }
0x10: {  	s13 =	sadd.s32 $0xDE00, s10;
	[sflag:s9] =	ssyncset.done $0x0  }
0x11: {  	s10 =	sadd.s32 s13, s12;
	[sflag:s9] =	ssyncadd.s32 $0xFFFF3000  }
0x12: {  	[hbm4b:s10+s2] =	stream.linear.scatter [tilespmem:s7], [sflag:$0x3], $0xD000, $0x38;
	[tilespmem:$0x1D400] =	vst v63  }
0x13: {  	_ =	swait.ge [sflag:s3], $0xD000  }
0x14: {  	s14 =	smul.u32 $0x68000, s11;
	[sflag:s3] =	ssyncset.done $0x0  }
0x15: {  	s11 =	simm.s32 $0xD00;
	s12 =	simm.s32 $0x2;
	[sflag:s3] =	ssyncadd.s32 $0xFFFF3000  }
0x16: {  	[tilespmem:s7], [sflag:$0x1] =	stream.indirect.gather [hbm4b:s5+s6], $0x20, s11, s6, $0xb8;
	[tilespmem:$0x1D400] =	vst v63  }
0x17: {  	s14 =	sshrl.u32 s14, $0x3;
	_ =	swait.ge [sflag:s12], $0xD000  }
0x18: {  	s25 =	sadd.s32 s13, s14;
	[sflag:s12] =	ssyncset.done $0x0  }
0x19: {  	s13 =	sadd.s32 $0x1A00, s25;
	[sflag:s12] =	ssyncadd.s32 $0xFFFF3000  }
0x1a: {  	[hbm4b:s13+s2] =	stream.linear.scatter [tilespmem:s8], [sflag:$0x3], $0xD000, $0x38;
	[tilespmem:$0x1D400] =	vst v63  }
0x1b: {  	_ =	swait.ge [sflag:s3], $0xD000  }
0x1c: {  	[sflag:s3] =	ssyncset.done $0x0  }
0x1d: {  	s14 =	simm.s32 $0x1380;
	[sflag:s3] =	ssyncadd.s32 $0xFFFF3000  }
0x1e: {  	[tilespmem:s8], [sflag:$0x2] =	stream.indirect.gather [hbm4b:s5+s6], $0x20, s14, s6, $0xb8;
	[tilespmem:$0x1D400] =	vst v63  }
0x1f: {  	_ =	swait.ge [sflag:s9], $0xD000  }
0x20: {  	[sflag:s9] =	ssyncset.done $0x0  }
0x21: {  	s15 =	sadd.s32 $0x3400, s25;
	[sflag:s9] =	ssyncadd.s32 $0xFFFF3000  }
0x22: {  	[hbm4b:s15+s2] =	stream.linear.scatter [tilespmem:s7], [sflag:$0x3], $0xD000, $0x38;
	[tilespmem:$0x1D400] =	vst v63  }
0x23: {  	_ =	swait.ge [sflag:s3], $0xD000  }
0x24: {  	[sflag:s3] =	ssyncset.done $0x0  }
0x25: {  	s16 =	simm.s32 $0x1A00;
	[sflag:s3] =	ssyncadd.s32 $0xFFFF3000  }
0x26: {  	[tilespmem:s7], [sflag:$0x1] =	stream.indirect.gather [hbm4b:s5+s6], $0x20, s16, s6, $0xb8;
	[tilespmem:$0x1D400] =	vst v63  }
0x27: {  	_ =	swait.ge [sflag:s12], $0xD000  }
0x28: {  	[sflag:s12] =	ssyncset.done $0x0  }
0x29: {  	s17 =	sadd.s32 $0x4E00, s25;
	[sflag:s12] =	ssyncadd.s32 $0xFFFF3000  }
0x2a: {  	[hbm4b:s17+s2] =	stream.linear.scatter [tilespmem:s8], [sflag:$0x3], $0xD000, $0x38;
	[tilespmem:$0x1D400] =	vst v63  }
0x2b: {  	_ =	swait.ge [sflag:s3], $0xD000  }
0x2c: {  	[sflag:s3] =	ssyncset.done $0x0  }
0x2d: {  	s18 =	simm.s32 $0x2080;
	[sflag:s3] =	ssyncadd.s32 $0xFFFF3000  }
0x2e: {  	[tilespmem:s8], [sflag:$0x2] =	stream.indirect.gather [hbm4b:s5+s6], $0x20, s18, s6, $0xb8;
	[tilespmem:$0x1D400] =	vst v63  }
0x2f: {  	_ =	swait.ge [sflag:s9], $0xD000  }
0x30: {  	[sflag:s9] =	ssyncset.done $0x0  }
0x31: {  	s19 =	sadd.s32 $0x6800, s25;
	[sflag:s9] =	ssyncadd.s32 $0xFFFF3000  }
0x32: {  	[hbm4b:s19+s2] =	stream.linear.scatter [tilespmem:s7], [sflag:$0x3], $0xD000, $0x38;
	[tilespmem:$0x1D400] =	vst v63  }
0x33: {  	_ =	swait.ge [sflag:s3], $0xD000  }
0x34: {  	[sflag:s3] =	ssyncset.done $0x0  }
0x35: {  	s20 =	simm.s32 $0x2700;
	[sflag:s3] =	ssyncadd.s32 $0xFFFF3000  }
0x36: {  	[tilespmem:s7], [sflag:$0x1] =	stream.indirect.gather [hbm4b:s5+s6], $0x20, s20, s6, $0xb8;
	[tilespmem:$0x1D400] =	vst v63  }
0x37: {  	_ =	swait.ge [sflag:s12], $0xD000  }
0x38: {  	[sflag:s12] =	ssyncset.done $0x0  }
0x39: {  	s21 =	sadd.s32 $0x8200, s25;
	[sflag:s12] =	ssyncadd.s32 $0xFFFF3000  }
0x3a: {  	[hbm4b:s21+s2] =	stream.linear.scatter [tilespmem:s8], [sflag:$0x3], $0xD000, $0x38;
	[tilespmem:$0x1D400] =	vst v63  }
0x3b: {  	_ =	swait.ge [sflag:s3], $0xD000  }
0x3c: {  	[sflag:s3] =	ssyncset.done $0x0  }
0x3d: {  	s22 =	simm.s32 $0x2D80;
	[sflag:s3] =	ssyncadd.s32 $0xFFFF3000  }
0x3e: {  	[tilespmem:s8], [sflag:$0x2] =	stream.indirect.gather [hbm4b:s5+s6], $0x20, s22, s6, $0xb8;
	[tilespmem:$0x1D400] =	vst v63  }
0x3f: {  	_ =	swait.ge [sflag:s9], $0xD000  }
0x40: {  	[sflag:s9] =	ssyncset.done $0x0  }
0x41: {  	s24 =	ssub.s32 $0x2, s24;
	s23 =	sadd.s32 $0x9C00, s25;
	[sflag:s9] =	ssyncadd.s32 $0xFFFF3000  }
0x42: {  	[hbm4b:s23+s2] =	stream.linear.scatter [tilespmem:s7], [sflag:$0x3], $0xD000, $0x38;
	[tilespmem:$0x1D400] =	vst v63  }
0x43: {  	s26 =	sshrl.u32 s24, $0x1;
	_ =	swait.ge [sflag:s3], $0xD000  }
0x44: {  	s26 =	ssub.s32 s24, s26;
	[sflag:s3] =	ssyncset.done $0x0  }
0x45: {  	s31 =	smax.u32 s26, $0x1;
	[sflag:s3] =	ssyncadd.s32 $0xFFFF3000  }
0x46: {  	p0 =	sne.s32 s31, $0x1;
	_ =	swait.ge [sflag:s12], $0xD000  }
.Ltmp0:
0x47: {  	[sflag:s12] =	ssyncset.done $0x0;
	(pc) =	sbr.rel @!p0 .LBB2_2-.Ltmp0, $4  }
0x48: {  	s24 =	sadd.s32 $0xB600, s25;
	[sflag:s12] =	ssyncadd.s32 $0xFFFF3000  }
0x49: {  	[hbm4b:s24+s2] =	stream.linear.scatter [tilespmem:s8], [sflag:$0x3], $0xD000, $0x38;
	[tilespmem:$0x1D400] =	vst v63  }
0x4a: {  	_ =	swait.ge [sflag:s3], $0xD000  }
0x4b: {  	s25 =	sadd.s32 $0xFFFFFFFF, s31;
	[sflag:s3] =	ssyncset.done $0x0  }
.LBB2_1:
0x4c: {  	p0 =	sne.s32 s25, $0x1;
	s25 =	sadd.s32 $0xFFFFFFFF, s25;
	[sflag:s3] =	ssyncadd.s32 $0xFFFF3000  }
0x4d: {  	[tilespmem:s2], [sflag:$0x3] =	stream.linear.gather [hbm4b:s4+s2], $0x3400, $0x38;
	[tilespmem:$0x1D400] =	vst v63  }
0x4e: {  	_ =	swait.ge [sflag:s3], $0x3400  }
0x4f: {  	[sflag:s3] =	ssyncset.done $0x0  }
0x50: {  	[sflag:s3] =	ssyncadd.s32 $0xFFFFCC00  }
0x51: {  	[tilespmem:s7], [sflag:$0x1] =	stream.indirect.gather [hbm4b:s5+s6], $0x20, s2, s6, $0xb8;
	[tilespmem:$0x1D400] =	vst v63  }
0x52: {  	_ = 	snop  }
0x53: {  	[tilespmem:s8], [sflag:$0x2] =	stream.indirect.gather [hbm4b:s5+s6], $0x20, s6, s6, $0xb8;
	[tilespmem:$0x1D400] =	vst v63  }
0x54: {  	_ =	swait.ge [sflag:s9], $0xD000  }
0x55: {  	[sflag:s9] =	ssyncset.done $0x0  }
0x56: {  	[sflag:s9] =	ssyncadd.s32 $0xFFFF3000  }
0x57: {  	[hbm4b:s10+s2] =	stream.linear.scatter [tilespmem:s7], [sflag:$0x3], $0xD000, $0x38;
	[tilespmem:$0x1D400] =	vst v63  }
0x58: {  	_ =	swait.ge [sflag:s3], $0xD000  }
0x59: {  	[sflag:s3] =	ssyncset.done $0x0  }
0x5a: {  	[sflag:s3] =	ssyncadd.s32 $0xFFFF3000  }
0x5b: {  	[tilespmem:s7], [sflag:$0x1] =	stream.indirect.gather [hbm4b:s5+s6], $0x20, s11, s6, $0xb8;
	[tilespmem:$0x1D400] =	vst v63  }
0x5c: {  	_ =	swait.ge [sflag:s12], $0xD000  }
0x5d: {  	[sflag:s12] =	ssyncset.done $0x0  }
0x5e: {  	[sflag:s12] =	ssyncadd.s32 $0xFFFF3000  }
0x5f: {  	[hbm4b:s13+s2] =	stream.linear.scatter [tilespmem:s8], [sflag:$0x3], $0xD000, $0x38;
	[tilespmem:$0x1D400] =	vst v63  }
0x60: {  	_ =	swait.ge [sflag:s3], $0xD000  }
0x61: {  	[sflag:s3] =	ssyncset.done $0x0  }
0x62: {  	[sflag:s3] =	ssyncadd.s32 $0xFFFF3000  }
0x63: {  	[tilespmem:s8], [sflag:$0x2] =	stream.indirect.gather [hbm4b:s5+s6], $0x20, s14, s6, $0xb8;
	[tilespmem:$0x1D400] =	vst v63  }
0x64: {  	_ =	swait.ge [sflag:s9], $0xD000  }
0x65: {  	[sflag:s9] =	ssyncset.done $0x0  }
0x66: {  	[sflag:s9] =	ssyncadd.s32 $0xFFFF3000  }
0x67: {  	[hbm4b:s15+s2] =	stream.linear.scatter [tilespmem:s7], [sflag:$0x3], $0xD000, $0x38;
	[tilespmem:$0x1D400] =	vst v63  }
0x68: {  	_ =	swait.ge [sflag:s3], $0xD000  }
0x69: {  	[sflag:s3] =	ssyncset.done $0x0  }
0x6a: {  	[sflag:s3] =	ssyncadd.s32 $0xFFFF3000  }
0x6b: {  	[tilespmem:s7], [sflag:$0x1] =	stream.indirect.gather [hbm4b:s5+s6], $0x20, s16, s6, $0xb8;
	[tilespmem:$0x1D400] =	vst v63  }
0x6c: {  	_ =	swait.ge [sflag:s12], $0xD000  }
0x6d: {  	[sflag:s12] =	ssyncset.done $0x0  }
0x6e: {  	[sflag:s12] =	ssyncadd.s32 $0xFFFF3000  }
0x6f: {  	[hbm4b:s17+s2] =	stream.linear.scatter [tilespmem:s8], [sflag:$0x3], $0xD000, $0x38;
	[tilespmem:$0x1D400] =	vst v63  }
0x70: {  	_ =	swait.ge [sflag:s3], $0xD000  }
0x71: {  	[sflag:s3] =	ssyncset.done $0x0  }
0x72: {  	[sflag:s3] =	ssyncadd.s32 $0xFFFF3000  }
0x73: {  	[tilespmem:s8], [sflag:$0x2] =	stream.indirect.gather [hbm4b:s5+s6], $0x20, s18, s6, $0xb8;
	[tilespmem:$0x1D400] =	vst v63  }
0x74: {  	_ =	swait.ge [sflag:s9], $0xD000  }
0x75: {  	[sflag:s9] =	ssyncset.done $0x0  }
0x76: {  	[sflag:s9] =	ssyncadd.s32 $0xFFFF3000  }
0x77: {  	[hbm4b:s19+s2] =	stream.linear.scatter [tilespmem:s7], [sflag:$0x3], $0xD000, $0x38;
	[tilespmem:$0x1D400] =	vst v63  }
0x78: {  	_ =	swait.ge [sflag:s3], $0xD000  }
0x79: {  	[sflag:s3] =	ssyncset.done $0x0  }
0x7a: {  	[sflag:s3] =	ssyncadd.s32 $0xFFFF3000  }
0x7b: {  	[tilespmem:s7], [sflag:$0x1] =	stream.indirect.gather [hbm4b:s5+s6], $0x20, s20, s6, $0xb8;
	[tilespmem:$0x1D400] =	vst v63  }
0x7c: {  	_ =	swait.ge [sflag:s12], $0xD000  }
0x7d: {  	[sflag:s12] =	ssyncset.done $0x0  }
0x7e: {  	[sflag:s12] =	ssyncadd.s32 $0xFFFF3000  }
0x7f: {  	[hbm4b:s21+s2] =	stream.linear.scatter [tilespmem:s8], [sflag:$0x3], $0xD000, $0x38;
	[tilespmem:$0x1D400] =	vst v63  }
0x80: {  	_ =	swait.ge [sflag:s3], $0xD000  }
0x81: {  	[sflag:s3] =	ssyncset.done $0x0  }
0x82: {  	[sflag:s3] =	ssyncadd.s32 $0xFFFF3000  }
0x83: {  	[tilespmem:s8], [sflag:$0x2] =	stream.indirect.gather [hbm4b:s5+s6], $0x20, s22, s6, $0xb8;
	[tilespmem:$0x1D400] =	vst v63  }
0x84: {  	_ =	swait.ge [sflag:s9], $0xD000  }
0x85: {  	[sflag:s9] =	ssyncset.done $0x0  }
0x86: {  	[sflag:s9] =	ssyncadd.s32 $0xFFFF3000  }
0x87: {  	[hbm4b:s23+s2] =	stream.linear.scatter [tilespmem:s7], [sflag:$0x3], $0xD000, $0x38;
	[tilespmem:$0x1D400] =	vst v63  }
0x88: {  	_ =	swait.ge [sflag:s3], $0xD000  }
0x89: {  	[sflag:s3] =	ssyncset.done $0x0  }
0x8a: {  	[sflag:s3] =	ssyncadd.s32 $0xFFFF3000  }
0x8b: {  	_ =	swait.ge [sflag:s12], $0xD000  }
.Ltmp1:
0x8c: {  	[sflag:s12] =	ssyncset.done $0x0;
	(pc) =	sbr.rel @p0 .LBB2_1-.Ltmp1, $4  }
0x8d: {  	[sflag:s12] =	ssyncadd.s32 $0xFFFF3000  }
0x8e: {  	[hbm4b:s24+s2] =	stream.linear.scatter [tilespmem:s8], [sflag:$0x3], $0xD000, $0x38;
	[tilespmem:$0x1D400] =	vst v63  }
0x8f: {  	_ =	swait.ge [sflag:s3], $0xD000  }
0x90: {  	[sflag:s3] =	ssyncset.done $0x0  }
.LBB2_2:
0x91: {  	[sflag:s3] =	ssyncadd.s32 $0xFFFF3000  }
0x92: {  	_ =	sfence.sel $0x180000  }
0x93: {  	[bflag:$0x0] =	sbarrier.arrive $0xFFFF  }
0x94: {  	p0 =	sne.s32 s0, $0x0;
	_ =	strace $0x90000047  }
0x95: {  	s0 =	sadd.s32 @!p0 $0x100000, s1;
	[bflag:$0x2] =	sbarrier.arrive $0xFFFF  }
0x96: {  	[sflag:s0] =	ssyncadd.tile.s32 @!p0 $0x1;
	_ =	shalt  }
.Lfunc_end2:
_tile_overlayer_lowered:
.L_overlay_start_2:
0x97: {  	(tag) =	ssettag $0x2  }
0x98: {  	s0 =	rddreg [dreg:$0x0];
	s2 =	stileid.u32  }
0x99: {  	s1 =	rddreg [dreg:$0x1];
	p0 =	sne.s32 s2, $0x0  }
0x9a: {  	s3 =	rddreg [dreg:$0x2];
	[bflag:$0x3] =	sbarrier.arrive $0xFFFF;
	s2 =	simm.s32 @!p0 $0x1C03  }
0x9b: {  	[timem:s3], [sflag:s2] =	dma.local @!p0 [hbm:s0], s1  }
0x9c: {  	s0 =	simm.s32 @!p0 $0x3  }
0x9d: {  	_ =	swait.ge @!p0 [sflag:s0], s1  }
0x9e: {  	s1 =	ssub.s32 @!p0 $0x0, s1;
	[sflag:s0] =	ssyncset.done @!p0 $0x0  }
0x9f: {  	[sflag:s0] =	ssyncadd.s32 @!p0 s1  }
0xa0: {  	[bflag:$0x3] =	sbarrier.arrive $0xFFFF  }
0xa1: {  	_ =	shalt  }

</sc_bundles>
